<compile_context>
chip_gen: v7x
topology: tpu7x:2x2x1
jax: 0.10.2.dev20260603
libtpu: 0.0.44.dev20260713+nightly
codegen_flags: <defaults>
</compile_context>

<pallas_src>
import functools

import numpy as np
import jax
import jax.numpy as jnp
from jax import lax
from jax.experimental import pallas as pl
from jax.experimental.pallas import tpu as pltpu
from jax.experimental.pallas import tpu_sc as plsc

N_SPH = 7
K_RAD = 6
NK = N_SPH * K_RAD
CUTOFF = 5.0


_NC = 2
_NS = 16
_NW = _NC * _NS
_CHUNK = 128


def _sc_gather_body(dist_hbm, idx_hbm, out_hbm, idx_v, rows_v, sem):
    wid = lax.axis_index("s") * _NC + lax.axis_index("c")
    n_chunks = idx_v.shape[0]
    pltpu.sync_copy(idx_hbm.at[wid], idx_v)

    def fire(c, _):
        pltpu.async_copy(dist_hbm.at[idx_v.at[c]], rows_v.at[c], sem)
        return _

    lax.fori_loop(0, n_chunks, fire, 0, unroll=False)

    def drain(c, _):
        pltpu.make_async_copy(dist_hbm.at[idx_v.at[c]], rows_v.at[c], sem).wait()
        return _

    lax.fori_loop(0, n_chunks, drain, 0, unroll=False)
    pltpu.sync_copy(rows_v, out_hbm.at[wid])


def _sc_gather(dist, idx):
    t = idx.shape[0]
    per_w_chunks = -(-t // (_NW * _CHUNK))
    t_pad = _NW * per_w_chunks * _CHUNK
    idx = jnp.pad(idx.astype(jnp.int32), (0, t_pad - t))
    idx3 = idx.reshape(_NW, per_w_chunks, _CHUNK)

    mesh = plsc.VectorSubcoreMesh(core_axis_name="c", subcore_axis_name="s")
    kern = functools.partial(
        pl.kernel,
        mesh=mesh,
        out_type=jax.ShapeDtypeStruct((_NW, per_w_chunks, _CHUNK), jnp.float32),
        scratch_types=[
            pltpu.VMEM((per_w_chunks, _CHUNK), jnp.int32),
            pltpu.VMEM((per_w_chunks, _CHUNK), jnp.float32),
            pltpu.SemaphoreType.DMA,
        ],
    )(_sc_gather_body)
    out = kern(dist, idx3)
    return out.reshape(t_pad)[:t]



_BT = 16000

_TWO_OVER_PI = float(np.float32(2.0 / np.pi))
_P2 = np.float64(np.pi / 2)
_P2_HI = np.frombuffer(
    (np.frombuffer(np.float32(_P2).tobytes(), np.uint32) & np.uint32(0xFFFFF000)).tobytes(),
    np.float32,
)[0]
_P2_MID = np.float32(_P2 - np.float64(_P2_HI))


def _sincos(u):
    kf = jnp.floor(u * _TWO_OVER_PI + 0.5)
    r = (u - kf * float(_P2_HI)) - kf * float(_P2_MID)
    r2 = r * r
    sp = ((-1.9515296e-4 * r2 + 8.3321608e-3) * r2 + -1.6666654e-1) * r2 * r + r
    cp = (((2.4433157e-5 * r2 + -1.3887316e-3) * r2 + 4.1666645e-2) * r2 + -0.5) * r2 + 1.0
    ki = kf.astype(jnp.int32)
    odd = (ki & 1) == 1
    s_base = jnp.where(odd, cp, sp)
    c_base = jnp.where(odd, sp, cp)
    s = jnp.where((ki & 2) == 2, -s_base, s_base)
    c = jnp.where(((ki + 1) & 2) == 2, -c_base, c_base)
    return s, c


def _tc_body(d_ref, a_ref, z_ref, n_ref, o_ref):
    d = d_ref[0]
    x = d / CUTOFF
    z = z_ref[...]
    u = z * x
    s, co = _sincos(u)
    inv = 1.0 / u
    j0 = s * inv
    j1 = (j0 - co) * inv

    a = a_ref[0]
    c = _sincos(a)[1]
    p_prev, p_cur = jnp.ones_like(c), c
    ps = [p_prev, p_cur]
    for l in range(2, N_SPH):
        p_prev, p_cur = p_cur, ((2.0 * l - 1.0) * c * p_cur - (l - 1.0) * p_prev) / l
        ps.append(p_cur)

    out_rows = []
    for i in range(N_SPH):
        sl = slice(K_RAD * i, K_RAD * (i + 1))
        if i == 0:
            b = j0[sl]
        elif i == 1:
            b = j1[sl]
        else:
            jm2, jm1, inv_i = j0[sl], j1[sl], inv[sl]
            for l in range(2, i + 1):
                jm2, jm1 = jm1, (2.0 * l - 1.0) * inv_i * jm1 - jm2
            b = jm1
        ci = float(np.sqrt((2.0 * i + 1.0) / (4.0 * np.pi)).astype(np.float32))
        cbf_i = jnp.broadcast_to(ci * ps[i], (K_RAD, d.shape[1]))
        out_rows.append(b * n_ref[sl] * cbf_i)

    o_ref[...] = jnp.concatenate(out_rows, axis=0).T


def _tc_compute(dg, angle, zeros, norms, interpret=False):
    t = dg.shape[0]
    nb = t // _BT
    dg3 = dg.reshape(nb, 1, _BT)
    ang3 = angle.reshape(nb, 1, _BT)
    zcol = zeros.reshape(NK, 1)
    ncol = norms.reshape(NK, 1)
    return pl.pallas_call(
        _tc_body,
        grid=(nb,),
        in_specs=[
            pl.BlockSpec((1, 1, _BT), lambda i: (i, 0, 0)),
            pl.BlockSpec((1, 1, _BT), lambda i: (i, 0, 0)),
            pl.BlockSpec((NK, 1), lambda i: (0, 0)),
            pl.BlockSpec((NK, 1), lambda i: (0, 0)),
        ],
        out_specs=pl.BlockSpec((_BT, NK), lambda i: (i, 0)),
        out_shape=jax.ShapeDtypeStruct((t, NK), jnp.float32),
        interpret=interpret,
    )(dg3, ang3, zcol, ncol)


def kernel(dist, angle, idx_kj, zeros, norms):
    dg = _sc_gather(dist, idx_kj)
    return _tc_compute(dg, angle, zeros.astype(jnp.float32), norms.astype(jnp.float32))

# --- scband reference (transcript-rebuilt; emitter-appended) ---
"""Pipeline reference for scband-spherical-basis-layer-5119601016912 (READ-ONLY COPY).

The authoritative reference and input builder live on the scoring server;
editing this copy changes nothing except your own understanding.
"""

import jax, jax.numpy as jnp
import numpy as np

N_SPH = 7
K_RAD = 6
CUTOFF = 5.0
E = 800000
T = 800000


def _jn_np(n, x):
    x = np.asarray(x, dtype=np.float64)
    j0 = np.sin(x) / x
    if n == 0:
        return j0
    j1 = np.sin(x) / (x * x) - np.cos(x) / x
    jm2, jm1 = j0, j1
    for l in range(2, n + 1):
        jm2, jm1 = jm1, (2.0 * l - 1.0) / x * jm1 - jm2
    return jm1


def _jn_zeros(n, k):
    zerosj = np.zeros((n, k), dtype=np.float64)
    zerosj[0] = np.arange(1, k + 1) * np.pi
    points = np.arange(1, k + n) * np.pi
    for i in range(1, n):
        racines = np.zeros(k + n - 1, dtype=np.float64)
        for j in range(k + n - 1 - i):
            a = float(points[j]); b = float(points[j + 1])
            fa = _jn_np(i, a)
            for _ in range(80):
                m = 0.5 * (a + b)
                fm = _jn_np(i, m)
                if fa * fm <= 0.0:
                    b = m
                else:
                    a = m; fa = fm
            racines[j] = 0.5 * (a + b)
        points = racines
        zerosj[i, :k] = racines[:k]
    return zerosj


def _make_constants():
    zeros = _jn_zeros(N_SPH, K_RAD)
    norms = np.zeros((N_SPH, K_RAD), dtype=np.float64)
    for i in range(N_SPH):
        for j in range(K_RAD):
            norms[i, j] = 1.0 / np.sqrt(0.5 * _jn_np(i + 1, zeros[i, j]) ** 2)
    return zeros.astype(np.float32), norms.astype(np.float32)


def _sjn(order, x):
    j0 = jnp.sin(x) / x
    if order == 0:
        return j0
    j1 = jnp.sin(x) / (x * x) - jnp.cos(x) / x
    jm2, jm1 = j0, j1
    for l in range(2, order + 1):
        jm2, jm1 = jm1, (2.0 * l - 1.0) / x * jm1 - jm2
    return jm1


def _legendre(nmax, c):
    P = [jnp.ones_like(c), c]
    for l in range(2, nmax):
        P.append(((2.0 * l - 1.0) * c * P[l - 1] - (l - 1.0) * P[l - 2]) / l)
    return P[:nmax]


def setup_inputs(seed: int = 0) -> dict:
    key = jax.random.key(seed)
    k1, k2, k3 = jax.random.split(key, 3)
    dist = jax.random.uniform(k1, (E,), dtype=jnp.float32)
    angle = jax.random.uniform(k2, (T,), dtype=jnp.float32)
    idx_kj = jax.random.randint(k3, (T,), 0, E).astype(jnp.int64)
    zeros_np, norms_np = _make_constants()
    return {
        "dist": dist,
        "angle": angle,
        "idx_kj": idx_kj,
        "zeros": jnp.asarray(zeros_np),
        "norms": jnp.asarray(norms_np),
    }


def reference(dist, angle, idx_kj, zeros, norms):
    n, k = N_SPH, K_RAD
    x = dist / CUTOFF
    rbf_cols = []
    for i in range(n):
        for j in range(k):
            rbf_cols.append(norms[i, j] * _sjn(i, zeros[i, j] * x))
    rbf = jnp.stack(rbf_cols, axis=1)
    c = jnp.cos(angle)
    P = _legendre(n, c)
    cbf = jnp.stack(
        [np.sqrt((2.0 * i + 1.0) / (4.0 * np.pi)).astype(np.float32) * P[i] for i in range(n)],
        axis=1,
    )
    out = (rbf[idx_kj].reshape(-1, n, k) * cbf.reshape(-1, n, 1)).reshape(-1, n * k)
    return out

if __name__ == "__main__":
    import jax
    _d = setup_inputs()
    print(jax.jit(kernel)(*tuple(_d.values())))

</pallas_src>

<mosaic_0001>
#map = affine_map<(d0, d1) -> (0)>
#map1 = affine_map<(d0, d1) -> (0, 0, 0)>
module attributes {stable_mosaic.version = 14 : i64} {
  func.func @_sc_gather_body(%arg0: i32, %arg1: i32, %arg2: memref<800000xf32, #tpu.memory_space<hbm>>, %arg3: memref<32x196x128xi32, #tpu.memory_space<hbm>>, %arg4: memref<32x196x128xf32, #tpu.memory_space<hbm>>, %arg5: memref<196x128xi32, #tpu.memory_space<vmem>>, %arg6: memref<196x128xf32, #tpu.memory_space<vmem>>, %arg7: memref<!tpu.dma_semaphore, #tpu.memory_space<semaphore_mem>>) attributes {dimension_semantics = [#tpu.dimension_semantics<core_parallel>, #tpu.dimension_semantics<subcore_parallel>], iteration_bounds = array<i64: 2, 16>, scalar_prefetch = 0 : i64, scratch_operands = 3 : i64, tpu.core_type = #tpu.core_type<sc_vector_subcore>, window_params = [{transform_indices = #map}, {transform_indices = #map1}, {transform_indices = #map1}]} {
    %mul3A = arith.constant 2 : i32
    %mul3A_0 = arith.muli %arg1, %mul3A : i32
    %add3A = arith.addi %mul3A_0, %arg0 : i32
    "tpu.region"() ({
      %run_scoped3A = tpu.sem_alloc : memref<!tpu.dma_semaphore, #tpu.memory_space<semaphore_mem>>
      %dma_start3A = arith.constant 0 : i32
      %dma_start3A_12 = arith.constant 0 : i32
      %dma_start3A_13 = tpu.memref_slice %arg3[%add3A, %dma_start3A, %dma_start3A_12] : memref<32x196x128xi32, #tpu.memory_space<hbm>> -> memref<1x196x128xi32, #tpu.memory_space<hbm>>
      %dma_start3A_14 = tpu.memref_squeeze %dma_start3A_13 : memref<1x196x128xi32, #tpu.memory_space<hbm>> -> memref<196x128xi32, #tpu.memory_space<hbm>>
      %dma_start3A_15 = arith.constant 0 : i32
      %dma_start3A_16 = arith.constant 0 : i32
      %dma_start3A_17 = tpu.memref_slice %arg3[%add3A, %dma_start3A_15, %dma_start3A_16] : memref<32x196x128xi32, #tpu.memory_space<hbm>> -> memref<1x196x128xi32, #tpu.memory_space<hbm>>
      %dma_start3A_18 = tpu.memref_squeeze %dma_start3A_17 : memref<1x196x128xi32, #tpu.memory_space<hbm>> -> memref<196x128xi32, #tpu.memory_space<hbm>>
      tpu.enqueue_dma source(%dma_start3A_18 : memref<196x128xi32, #tpu.memory_space<hbm>>) target(%arg5 : memref<196x128xi32, #tpu.memory_space<vmem>>) target_semaphore(%run_scoped3A : memref<!tpu.dma_semaphore, #tpu.memory_space<semaphore_mem>>)
      %dma_wait3A = arith.constant 0 : i32
      %dma_wait3A_19 = arith.constant 0 : i32
      %dma_wait3A_20 = tpu.memref_slice %arg3[%add3A, %dma_wait3A, %dma_wait3A_19] : memref<32x196x128xi32, #tpu.memory_space<hbm>> -> memref<1x196x128xi32, #tpu.memory_space<hbm>>
      %dma_wait3A_21 = tpu.memref_squeeze %dma_wait3A_20 : memref<1x196x128xi32, #tpu.memory_space<hbm>> -> memref<196x128xi32, #tpu.memory_space<hbm>>
      %dma_wait3A_22 = arith.constant 0 : i32
      %dma_wait3A_23 = arith.constant 0 : i32
      %dma_wait3A_24 = tpu.memref_slice %arg3[%add3A, %dma_wait3A_22, %dma_wait3A_23] : memref<32x196x128xi32, #tpu.memory_space<hbm>> -> memref<1x196x128xi32, #tpu.memory_space<hbm>>
      %dma_wait3A_25 = tpu.memref_squeeze %dma_wait3A_24 : memref<1x196x128xi32, #tpu.memory_space<hbm>> -> memref<196x128xi32, #tpu.memory_space<hbm>>
      tpu.wait_dma2 semaphore(%run_scoped3A : memref<!tpu.dma_semaphore, #tpu.memory_space<semaphore_mem>>) src(%dma_wait3A_25 : memref<196x128xi32, #tpu.memory_space<hbm>>) dst(%arg5 : memref<196x128xi32, #tpu.memory_space<vmem>>)
      tpu.yield
    }) : () -> ()
    %scan3A = arith.constant 0 : i32
    %scan3A_1 = arith.constant 0 : i32
    %scan3A_2 = arith.constant 196 : i32
    %scan3A_3 = arith.addi %scan3A_1, %scan3A_2 : i32
    %scan3A_4 = arith.constant 1 : i32
    scf.for %scan3A_12 = %scan3A_1 to %scan3A_3 step %scan3A_4  : i32 {
      %dma_start3A = arith.constant 0 : i32
      %dma_start3A_13 = tpu.memref_slice %arg6[%scan3A_12, %dma_start3A] : memref<196x128xf32, #tpu.memory_space<vmem>> -> memref<1x128xf32, #tpu.memory_space<vmem>>
      %dma_start3A_14 = tpu.memref_squeeze %dma_start3A_13 : memref<1x128xf32, #tpu.memory_space<vmem>> -> memref<128xf32, #tpu.memory_space<vmem>>
      %dma_start3A_15 = arith.constant 0 : i32
      %dma_start3A_16 = tpu.memref_slice %arg5[%scan3A_12, %dma_start3A_15] : memref<196x128xi32, #tpu.memory_space<vmem>> -> memref<1x128xi32, #tpu.memory_space<vmem>>
      %dma_start3A_17 = tpu.memref_squeeze %dma_start3A_16 : memref<1x128xi32, #tpu.memory_space<vmem>> -> memref<128xi32, #tpu.memory_space<vmem>>
      %dma_start3A_18 = arith.constant 0 : i32
      %dma_start3A_19 = tpu.memref_slice %arg2[%dma_start3A_18] : memref<800000xf32, #tpu.memory_space<hbm>> -> memref<800000xf32, #tpu.memory_space<hbm>>
      tpu.enqueue_indirect_dma source(%dma_start3A_19 : memref<800000xf32, #tpu.memory_space<hbm>>) target(%dma_start3A_14 : memref<128xf32, #tpu.memory_space<vmem>>) offsets(%dma_start3A_17 : memref<128xi32, #tpu.memory_space<vmem>>) semaphore(%arg7 : memref<!tpu.dma_semaphore, #tpu.memory_space<semaphore_mem>>)
    }
    %scan3A_5 = arith.constant 196 : i32
    %scan3A_6 = arith.constant 0 : i32
    %scan3A_7 = arith.constant 0 : i32
    %scan3A_8 = arith.constant 196 : i32
    %scan3A_9 = arith.addi %scan3A_7, %scan3A_8 : i32
    %scan3A_10 = arith.constant 1 : i32
    scf.for %scan3A_12 = %scan3A_7 to %scan3A_9 step %scan3A_10  : i32 {
      %dma_wait3A = arith.constant 0 : i32
      %dma_wait3A_13 = tpu.memref_slice %arg6[%scan3A_12, %dma_wait3A] : memref<196x128xf32, #tpu.memory_space<vmem>> -> memref<1x128xf32, #tpu.memory_space<vmem>>
      %dma_wait3A_14 = tpu.memref_squeeze %dma_wait3A_13 : memref<1x128xf32, #tpu.memory_space<vmem>> -> memref<128xf32, #tpu.memory_space<vmem>>
      %dma_wait3A_15 = arith.constant 0 : i32
      %dma_wait3A_16 = tpu.memref_slice %arg5[%scan3A_12, %dma_wait3A_15] : memref<196x128xi32, #tpu.memory_space<vmem>> -> memref<1x128xi32, #tpu.memory_space<vmem>>
      %dma_wait3A_17 = tpu.memref_squeeze %dma_wait3A_16 : memref<1x128xi32, #tpu.memory_space<vmem>> -> memref<128xi32, #tpu.memory_space<vmem>>
      %dma_wait3A_18 = arith.constant 0 : i32
      %dma_wait3A_19 = tpu.memref_slice %arg2[%dma_wait3A_18] : memref<800000xf32, #tpu.memory_space<hbm>> -> memref<800000xf32, #tpu.memory_space<hbm>>
      tpu.wait_indirect_dma semaphore(%arg7 : memref<!tpu.dma_semaphore, #tpu.memory_space<semaphore_mem>>) src(%dma_wait3A_19 : memref<800000xf32, #tpu.memory_space<hbm>>) dst(%dma_wait3A_14 : memref<128xf32, #tpu.memory_space<vmem>>)
    }
    %scan3A_11 = arith.constant 196 : i32
    "tpu.region"() ({
      %run_scoped3A = tpu.sem_alloc : memref<!tpu.dma_semaphore, #tpu.memory_space<semaphore_mem>>
      %dma_start3A = arith.constant 0 : i32
      %dma_start3A_12 = arith.constant 0 : i32
      %dma_start3A_13 = tpu.memref_slice %arg4[%add3A, %dma_start3A, %dma_start3A_12] : memref<32x196x128xf32, #tpu.memory_space<hbm>> -> memref<1x196x128xf32, #tpu.memory_space<hbm>>
      %dma_start3A_14 = tpu.memref_squeeze %dma_start3A_13 : memref<1x196x128xf32, #tpu.memory_space<hbm>> -> memref<196x128xf32, #tpu.memory_space<hbm>>
      %dma_start3A_15 = arith.constant 0 : i32
      %dma_start3A_16 = arith.constant 0 : i32
      %dma_start3A_17 = tpu.memref_slice %arg4[%add3A, %dma_start3A_15, %dma_start3A_16] : memref<32x196x128xf32, #tpu.memory_space<hbm>> -> memref<1x196x128xf32, #tpu.memory_space<hbm>>
      %dma_start3A_18 = tpu.memref_squeeze %dma_start3A_17 : memref<1x196x128xf32, #tpu.memory_space<hbm>> -> memref<196x128xf32, #tpu.memory_space<hbm>>
      tpu.enqueue_dma source(%arg6 : memref<196x128xf32, #tpu.memory_space<vmem>>) target(%dma_start3A_18 : memref<196x128xf32, #tpu.memory_space<hbm>>) target_semaphore(%run_scoped3A : memref<!tpu.dma_semaphore, #tpu.memory_space<semaphore_mem>>)
      %dma_wait3A = arith.constant 0 : i32
      %dma_wait3A_19 = arith.constant 0 : i32
      %dma_wait3A_20 = tpu.memref_slice %arg4[%add3A, %dma_wait3A, %dma_wait3A_19] : memref<32x196x128xf32, #tpu.memory_space<hbm>> -> memref<1x196x128xf32, #tpu.memory_space<hbm>>
      %dma_wait3A_21 = tpu.memref_squeeze %dma_wait3A_20 : memref<1x196x128xf32, #tpu.memory_space<hbm>> -> memref<196x128xf32, #tpu.memory_space<hbm>>
      %dma_wait3A_22 = arith.constant 0 : i32
      %dma_wait3A_23 = arith.constant 0 : i32
      %dma_wait3A_24 = tpu.memref_slice %arg4[%add3A, %dma_wait3A_22, %dma_wait3A_23] : memref<32x196x128xf32, #tpu.memory_space<hbm>> -> memref<1x196x128xf32, #tpu.memory_space<hbm>>
      %dma_wait3A_25 = tpu.memref_squeeze %dma_wait3A_24 : memref<1x196x128xf32, #tpu.memory_space<hbm>> -> memref<196x128xf32, #tpu.memory_space<hbm>>
      tpu.wait_dma2 semaphore(%run_scoped3A : memref<!tpu.dma_semaphore, #tpu.memory_space<semaphore_mem>>) src(%arg6 : memref<196x128xf32, #tpu.memory_space<vmem>>) dst(%dma_wait3A_25 : memref<196x128xf32, #tpu.memory_space<hbm>>)
      tpu.yield
    }) : () -> ()
    return
  }
}

module attributes {stable_mosaic.version = 14 : i64} {
  func.func @_tc_body(%arg0: i32, %arg1: memref<1x1x16000xf32, #tpu.memory_space<vmem>>, %arg2: memref<1x1x16000xf32, #tpu.memory_space<vmem>>, %arg3: memref<42x1xf32, #tpu.memory_space<vmem>>, %arg4: memref<42x1xf32, #tpu.memory_space<vmem>>, %arg5: memref<16000x42xf32, #tpu.memory_space<vmem>>) attributes {dimension_semantics = [#tpu.dimension_semantics<arbitrary>], iteration_bounds = array<i64: 50>, scalar_prefetch = 0 : i64, scratch_operands = 0 : i64, tpu.core_type = #tpu.core_type<tc>, window_params = [{transform_indices = @transform_0, window_bounds = array<i64: 1, 1, 16000>}, {transform_indices = @transform_1, window_bounds = array<i64: 1, 1, 16000>}, {pipeline_mode = #tpu.pipeline_mode<synchronous>, transform_indices = @transform_2, window_bounds = array<i64: 42, 1>}, {pipeline_mode = #tpu.pipeline_mode<synchronous>, transform_indices = @transform_3, window_bounds = array<i64: 42, 1>}, {transform_indices = @transform_4, window_bounds = array<i64: 16000, 42>}]} {
    %get3A = arith.constant 0 : index
    %get3A_0 = arith.constant 0 : index
    %get3A_1 = arith.constant 0 : index
    %get3A_2 = vector.load %arg1[%get3A, %get3A_0, %get3A_1] : memref<1x1x16000xf32, #tpu.memory_space<vmem>>, vector<1x1x16000xf32>
    %get3A_3 = vector.shape_cast %get3A_2 : vector<1x1x16000xf32> to vector<1x16000xf32>
    %div3A = arith.constant 5.000000e+00 : f32
    %div3A_4 = vector.broadcast %div3A : f32 to vector<1x16000xf32>
    %div3A_5 = arith.divf %get3A_3, %div3A_4 : vector<1x16000xf32>
    %get3A_6 = arith.constant 0 : index
    %get3A_7 = arith.constant 0 : index
    %get3A_8 = vector.load %arg3[%get3A_6, %get3A_7] : memref<42x1xf32, #tpu.memory_space<vmem>>, vector<42x1xf32>
    %mul3A = vector.broadcast %get3A_8 : vector<42x1xf32> to vector<42x16000xf32>
    %mul3A_9 = vector.broadcast %div3A_5 : vector<1x16000xf32> to vector<42x16000xf32>
    %mul3A_10 = arith.mulf %mul3A, %mul3A_9 : vector<42x16000xf32>
    %mul3A_11 = arith.constant 0.636619746 : f32
    %mul3A_12 = vector.broadcast %mul3A_11 : f32 to vector<42x16000xf32>
    %mul3A_13 = arith.mulf %mul3A_10, %mul3A_12 : vector<42x16000xf32>
    %add3A = arith.constant 5.000000e-01 : f32
    %add3A_14 = vector.broadcast %add3A : f32 to vector<42x16000xf32>
    %add3A_15 = arith.addf %mul3A_13, %add3A_14 : vector<42x16000xf32>
    %floor3A = math.floor %add3A_15 : vector<42x16000xf32>
    %mul3A_16 = arith.constant 1.5703125 : f32
    %mul3A_17 = vector.broadcast %mul3A_16 : f32 to vector<42x16000xf32>
    %mul3A_18 = arith.mulf %floor3A, %mul3A_17 : vector<42x16000xf32>
    %sub3A = arith.subf %mul3A_10, %mul3A_18 : vector<42x16000xf32>
    %mul3A_19 = arith.constant 4.83826792E-4 : f32
    %mul3A_20 = vector.broadcast %mul3A_19 : f32 to vector<42x16000xf32>
    %mul3A_21 = arith.mulf %floor3A, %mul3A_20 : vector<42x16000xf32>
    %sub3A_22 = arith.subf %sub3A, %mul3A_21 : vector<42x16000xf32>
    %mul3A_23 = arith.mulf %sub3A_22, %sub3A_22 : vector<42x16000xf32>
    %mul3A_24 = arith.constant -1.95152956E-4 : f32
    %mul3A_25 = vector.broadcast %mul3A_24 : f32 to vector<42x16000xf32>
    %mul3A_26 = arith.mulf %mul3A_25, %mul3A_23 : vector<42x16000xf32>
    %add3A_27 = arith.constant 0.00833216123 : f32
    %add3A_28 = vector.broadcast %add3A_27 : f32 to vector<42x16000xf32>
    %add3A_29 = arith.addf %mul3A_26, %add3A_28 : vector<42x16000xf32>
    %mul3A_30 = arith.mulf %add3A_29, %mul3A_23 : vector<42x16000xf32>
    %add3A_31 = arith.constant -0.166666538 : f32
    %add3A_32 = vector.broadcast %add3A_31 : f32 to vector<42x16000xf32>
    %add3A_33 = arith.addf %mul3A_30, %add3A_32 : vector<42x16000xf32>
    %mul3A_34 = arith.mulf %add3A_33, %mul3A_23 : vector<42x16000xf32>
    %mul3A_35 = arith.mulf %mul3A_34, %sub3A_22 : vector<42x16000xf32>
    %add3A_36 = arith.addf %mul3A_35, %sub3A_22 : vector<42x16000xf32>
    %mul3A_37 = arith.constant 2.44331568E-5 : f32
    %mul3A_38 = vector.broadcast %mul3A_37 : f32 to vector<42x16000xf32>
    %mul3A_39 = arith.mulf %mul3A_38, %mul3A_23 : vector<42x16000xf32>
    %add3A_40 = arith.constant -0.00138873165 : f32
    %add3A_41 = vector.broadcast %add3A_40 : f32 to vector<42x16000xf32>
    %add3A_42 = arith.addf %mul3A_39, %add3A_41 : vector<42x16000xf32>
    %mul3A_43 = arith.mulf %add3A_42, %mul3A_23 : vector<42x16000xf32>
    %add3A_44 = arith.constant 0.0416666456 : f32
    %add3A_45 = vector.broadcast %add3A_44 : f32 to vector<42x16000xf32>
    %add3A_46 = arith.addf %mul3A_43, %add3A_45 : vector<42x16000xf32>
    %mul3A_47 = arith.mulf %add3A_46, %mul3A_23 : vector<42x16000xf32>
    %add3A_48 = arith.constant -5.000000e-01 : f32
    %add3A_49 = vector.broadcast %add3A_48 : f32 to vector<42x16000xf32>
    %add3A_50 = arith.addf %mul3A_47, %add3A_49 : vector<42x16000xf32>
    %mul3A_51 = arith.mulf %add3A_50, %mul3A_23 : vector<42x16000xf32>
    %add3A_52 = arith.constant 1.000000e+00 : f32
    %add3A_53 = vector.broadcast %add3A_52 : f32 to vector<42x16000xf32>
    %add3A_54 = arith.addf %mul3A_51, %add3A_53 : vector<42x16000xf32>
    %convert_element_type3A = arith.fptosi %floor3A : vector<42x16000xf32> to vector<42x16000xi32>
    %and3A = arith.constant 1 : i32
    %and3A_55 = vector.broadcast %and3A : i32 to vector<42x16000xi32>
    %and3A_56 = arith.andi %convert_element_type3A, %and3A_55 : vector<42x16000xi32>
    %eq3A = arith.constant 1 : i32
    %eq3A_57 = vector.broadcast %eq3A : i32 to vector<42x16000xi32>
    %eq3A_58 = arith.cmpi eq, %and3A_56, %eq3A_57 : vector<42x16000xi32>
    %select_n3A = arith.select %eq3A_58, %add3A_54, %add3A_36 : vector<42x16000xi1>, vector<42x16000xf32>
    %select_n3A_59 = arith.select %eq3A_58, %add3A_36, %add3A_54 : vector<42x16000xi1>, vector<42x16000xf32>
    %and3A_60 = arith.constant 2 : i32
    %and3A_61 = vector.broadcast %and3A_60 : i32 to vector<42x16000xi32>
    %and3A_62 = arith.andi %convert_element_type3A, %and3A_61 : vector<42x16000xi32>
    %eq3A_63 = arith.constant 2 : i32
    %eq3A_64 = vector.broadcast %eq3A_63 : i32 to vector<42x16000xi32>
    %eq3A_65 = arith.cmpi eq, %and3A_62, %eq3A_64 : vector<42x16000xi32>
    %neg3A = arith.constant 0.000000e+00 : f32
    %neg3A_66 = vector.broadcast %neg3A : f32 to vector<42x16000xf32>
    %neg3A_67 = arith.subf %neg3A_66, %select_n3A : vector<42x16000xf32>
    %select_n3A_68 = arith.select %eq3A_65, %neg3A_67, %select_n3A : vector<42x16000xi1>, vector<42x16000xf32>
    %add3A_69 = arith.constant 1 : i32
    %add3A_70 = vector.broadcast %add3A_69 : i32 to vector<42x16000xi32>
    %add3A_71 = arith.addi %convert_element_type3A, %add3A_70 : vector<42x16000xi32>
    %and3A_72 = arith.constant 2 : i32
    %and3A_73 = vector.broadcast %and3A_72 : i32 to vector<42x16000xi32>
    %and3A_74 = arith.andi %add3A_71, %and3A_73 : vector<42x16000xi32>
    %eq3A_75 = arith.constant 2 : i32
    %eq3A_76 = vector.broadcast %eq3A_75 : i32 to vector<42x16000xi32>
    %eq3A_77 = arith.cmpi eq, %and3A_74, %eq3A_76 : vector<42x16000xi32>
    %neg3A_78 = arith.constant 0.000000e+00 : f32
    %neg3A_79 = vector.broadcast %neg3A_78 : f32 to vector<42x16000xf32>
    %neg3A_80 = arith.subf %neg3A_79, %select_n3A_59 : vector<42x16000xf32>
    %select_n3A_81 = arith.select %eq3A_77, %neg3A_80, %select_n3A_59 : vector<42x16000xi1>, vector<42x16000xf32>
    %div3A_82 = arith.constant 1.000000e+00 : f32
    %div3A_83 = vector.broadcast %div3A_82 : f32 to vector<42x16000xf32>
    %div3A_84 = arith.divf %div3A_83, %mul3A_10 : vector<42x16000xf32>
    %mul3A_85 = arith.mulf %select_n3A_68, %div3A_84 : vector<42x16000xf32>
    %sub3A_86 = arith.subf %mul3A_85, %select_n3A_81 : vector<42x16000xf32>
    %mul3A_87 = arith.mulf %sub3A_86, %div3A_84 : vector<42x16000xf32>
    %get3A_88 = arith.constant 0 : index
    %get3A_89 = arith.constant 0 : index
    %get3A_90 = arith.constant 0 : index
    %get3A_91 = vector.load %arg2[%get3A_88, %get3A_89, %get3A_90] : memref<1x1x16000xf32, #tpu.memory_space<vmem>>, vector<1x1x16000xf32>
    %get3A_92 = vector.shape_cast %get3A_91 : vector<1x1x16000xf32> to vector<1x16000xf32>
    %mul3A_93 = arith.constant 0.636619746 : f32
    %mul3A_94 = vector.broadcast %mul3A_93 : f32 to vector<1x16000xf32>
    %mul3A_95 = arith.mulf %get3A_92, %mul3A_94 : vector<1x16000xf32>
    %add3A_96 = arith.constant 5.000000e-01 : f32
    %add3A_97 = vector.broadcast %add3A_96 : f32 to vector<1x16000xf32>
    %add3A_98 = arith.addf %mul3A_95, %add3A_97 : vector<1x16000xf32>
    %floor3A_99 = math.floor %add3A_98 : vector<1x16000xf32>
    %mul3A_100 = arith.constant 1.5703125 : f32
    %mul3A_101 = vector.broadcast %mul3A_100 : f32 to vector<1x16000xf32>
    %mul3A_102 = arith.mulf %floor3A_99, %mul3A_101 : vector<1x16000xf32>
    %sub3A_103 = arith.subf %get3A_92, %mul3A_102 : vector<1x16000xf32>
    %mul3A_104 = arith.constant 4.83826792E-4 : f32
    %mul3A_105 = vector.broadcast %mul3A_104 : f32 to vector<1x16000xf32>
    %mul3A_106 = arith.mulf %floor3A_99, %mul3A_105 : vector<1x16000xf32>
    %sub3A_107 = arith.subf %sub3A_103, %mul3A_106 : vector<1x16000xf32>
    %mul3A_108 = arith.mulf %sub3A_107, %sub3A_107 : vector<1x16000xf32>
    %mul3A_109 = arith.constant -1.95152956E-4 : f32
    %mul3A_110 = vector.broadcast %mul3A_109 : f32 to vector<1x16000xf32>
    %mul3A_111 = arith.mulf %mul3A_110, %mul3A_108 : vector<1x16000xf32>
    %add3A_112 = arith.constant 0.00833216123 : f32
    %add3A_113 = vector.broadcast %add3A_112 : f32 to vector<1x16000xf32>
    %add3A_114 = arith.addf %mul3A_111, %add3A_113 : vector<1x16000xf32>
    %mul3A_115 = arith.mulf %add3A_114, %mul3A_108 : vector<1x16000xf32>
    %add3A_116 = arith.constant -0.166666538 : f32
    %add3A_117 = vector.broadcast %add3A_116 : f32 to vector<1x16000xf32>
    %add3A_118 = arith.addf %mul3A_115, %add3A_117 : vector<1x16000xf32>
    %mul3A_119 = arith.mulf %add3A_118, %mul3A_108 : vector<1x16000xf32>
    %mul3A_120 = arith.mulf %mul3A_119, %sub3A_107 : vector<1x16000xf32>
    %add3A_121 = arith.addf %mul3A_120, %sub3A_107 : vector<1x16000xf32>
    %mul3A_122 = arith.constant 2.44331568E-5 : f32
    %mul3A_123 = vector.broadcast %mul3A_122 : f32 to vector<1x16000xf32>
    %mul3A_124 = arith.mulf %mul3A_123, %mul3A_108 : vector<1x16000xf32>
    %add3A_125 = arith.constant -0.00138873165 : f32
    %add3A_126 = vector.broadcast %add3A_125 : f32 to vector<1x16000xf32>
    %add3A_127 = arith.addf %mul3A_124, %add3A_126 : vector<1x16000xf32>
    %mul3A_128 = arith.mulf %add3A_127, %mul3A_108 : vector<1x16000xf32>
    %add3A_129 = arith.constant 0.0416666456 : f32
    %add3A_130 = vector.broadcast %add3A_129 : f32 to vector<1x16000xf32>
    %add3A_131 = arith.addf %mul3A_128, %add3A_130 : vector<1x16000xf32>
    %mul3A_132 = arith.mulf %add3A_131, %mul3A_108 : vector<1x16000xf32>
    %add3A_133 = arith.constant -5.000000e-01 : f32
    %add3A_134 = vector.broadcast %add3A_133 : f32 to vector<1x16000xf32>
    %add3A_135 = arith.addf %mul3A_132, %add3A_134 : vector<1x16000xf32>
    %mul3A_136 = arith.mulf %add3A_135, %mul3A_108 : vector<1x16000xf32>
    %add3A_137 = arith.constant 1.000000e+00 : f32
    %add3A_138 = vector.broadcast %add3A_137 : f32 to vector<1x16000xf32>
    %add3A_139 = arith.addf %mul3A_136, %add3A_138 : vector<1x16000xf32>
    %convert_element_type3A_140 = arith.fptosi %floor3A_99 : vector<1x16000xf32> to vector<1x16000xi32>
    %and3A_141 = arith.constant 1 : i32
    %and3A_142 = vector.broadcast %and3A_141 : i32 to vector<1x16000xi32>
    %and3A_143 = arith.andi %convert_element_type3A_140, %and3A_142 : vector<1x16000xi32>
    %eq3A_144 = arith.constant 1 : i32
    %eq3A_145 = vector.broadcast %eq3A_144 : i32 to vector<1x16000xi32>
    %eq3A_146 = arith.cmpi eq, %and3A_143, %eq3A_145 : vector<1x16000xi32>
    %select_n3A_147 = arith.select %eq3A_146, %add3A_121, %add3A_139 : vector<1x16000xi1>, vector<1x16000xf32>
    %add3A_148 = arith.constant 1 : i32
    %add3A_149 = vector.broadcast %add3A_148 : i32 to vector<1x16000xi32>
    %add3A_150 = arith.addi %convert_element_type3A_140, %add3A_149 : vector<1x16000xi32>
    %and3A_151 = arith.constant 2 : i32
    %and3A_152 = vector.broadcast %and3A_151 : i32 to vector<1x16000xi32>
    %and3A_153 = arith.andi %add3A_150, %and3A_152 : vector<1x16000xi32>
    %eq3A_154 = arith.constant 2 : i32
    %eq3A_155 = vector.broadcast %eq3A_154 : i32 to vector<1x16000xi32>
    %eq3A_156 = arith.cmpi eq, %and3A_153, %eq3A_155 : vector<1x16000xi32>
    %neg3A_157 = arith.constant 0.000000e+00 : f32
    %neg3A_158 = vector.broadcast %neg3A_157 : f32 to vector<1x16000xf32>
    %neg3A_159 = arith.subf %neg3A_158, %select_n3A_147 : vector<1x16000xf32>
    %select_n3A_160 = arith.select %eq3A_156, %neg3A_159, %select_n3A_147 : vector<1x16000xi1>, vector<1x16000xf32>
    %broadcast_in_dim3A = arith.constant 1.000000e+00 : f32
    %broadcast_in_dim3A_161 = vector.broadcast %broadcast_in_dim3A : f32 to vector<1x16000xf32>
    %mul3A_162 = arith.constant 3.000000e+00 : f32
    %mul3A_163 = vector.broadcast %mul3A_162 : f32 to vector<1x16000xf32>
    %mul3A_164 = arith.mulf %mul3A_163, %select_n3A_160 : vector<1x16000xf32>
    %mul3A_165 = arith.mulf %mul3A_164, %select_n3A_160 : vector<1x16000xf32>
    %mul3A_166 = arith.constant 1.000000e+00 : f32
    %mul3A_167 = vector.broadcast %mul3A_166 : f32 to vector<1x16000xf32>
    %mul3A_168 = arith.mulf %mul3A_167, %broadcast_in_dim3A_161 : vector<1x16000xf32>
    %sub3A_169 = arith.subf %mul3A_165, %mul3A_168 : vector<1x16000xf32>
    %div3A_170 = arith.constant 2.000000e+00 : f32
    %div3A_171 = vector.broadcast %div3A_170 : f32 to vector<1x16000xf32>
    %div3A_172 = arith.divf %sub3A_169, %div3A_171 : vector<1x16000xf32>
    %mul3A_173 = arith.constant 5.000000e+00 : f32
    %mul3A_174 = vector.broadcast %mul3A_173 : f32 to vector<1x16000xf32>
    %mul3A_175 = arith.mulf %mul3A_174, %select_n3A_160 : vector<1x16000xf32>
    %mul3A_176 = arith.mulf %mul3A_175, %div3A_172 : vector<1x16000xf32>
    %mul3A_177 = arith.constant 2.000000e+00 : f32
    %mul3A_178 = vector.broadcast %mul3A_177 : f32 to vector<1x16000xf32>
    %mul3A_179 = arith.mulf %mul3A_178, %select_n3A_160 : vector<1x16000xf32>
    %sub3A_180 = arith.subf %mul3A_176, %mul3A_179 : vector<1x16000xf32>
    %div3A_181 = arith.constant 3.000000e+00 : f32
    %div3A_182 = vector.broadcast %div3A_181 : f32 to vector<1x16000xf32>
    %div3A_183 = arith.divf %sub3A_180, %div3A_182 : vector<1x16000xf32>
    %mul3A_184 = arith.constant 7.000000e+00 : f32
    %mul3A_185 = vector.broadcast %mul3A_184 : f32 to vector<1x16000xf32>
    %mul3A_186 = arith.mulf %mul3A_185, %select_n3A_160 : vector<1x16000xf32>
    %mul3A_187 = arith.mulf %mul3A_186, %div3A_183 : vector<1x16000xf32>
    %mul3A_188 = arith.constant 3.000000e+00 : f32
    %mul3A_189 = vector.broadcast %mul3A_188 : f32 to vector<1x16000xf32>
    %mul3A_190 = arith.mulf %mul3A_189, %div3A_172 : vector<1x16000xf32>
    %sub3A_191 = arith.subf %mul3A_187, %mul3A_190 : vector<1x16000xf32>
    %div3A_192 = arith.constant 4.000000e+00 : f32
    %div3A_193 = vector.broadcast %div3A_192 : f32 to vector<1x16000xf32>
    %div3A_194 = arith.divf %sub3A_191, %div3A_193 : vector<1x16000xf32>
    %mul3A_195 = arith.constant 9.000000e+00 : f32
    %mul3A_196 = vector.broadcast %mul3A_195 : f32 to vector<1x16000xf32>
    %mul3A_197 = arith.mulf %mul3A_196, %select_n3A_160 : vector<1x16000xf32>
    %mul3A_198 = arith.mulf %mul3A_197, %div3A_194 : vector<1x16000xf32>
    %mul3A_199 = arith.constant 4.000000e+00 : f32
    %mul3A_200 = vector.broadcast %mul3A_199 : f32 to vector<1x16000xf32>
    %mul3A_201 = arith.mulf %mul3A_200, %div3A_183 : vector<1x16000xf32>
    %sub3A_202 = arith.subf %mul3A_198, %mul3A_201 : vector<1x16000xf32>
    %div3A_203 = arith.constant 5.000000e+00 : f32
    %div3A_204 = vector.broadcast %div3A_203 : f32 to vector<1x16000xf32>
    %div3A_205 = arith.divf %sub3A_202, %div3A_204 : vector<1x16000xf32>
    %mul3A_206 = arith.constant 1.100000e+01 : f32
    %mul3A_207 = vector.broadcast %mul3A_206 : f32 to vector<1x16000xf32>
    %mul3A_208 = arith.mulf %mul3A_207, %select_n3A_160 : vector<1x16000xf32>
    %mul3A_209 = arith.mulf %mul3A_208, %div3A_205 : vector<1x16000xf32>
    %mul3A_210 = arith.constant 5.000000e+00 : f32
    %mul3A_211 = vector.broadcast %mul3A_210 : f32 to vector<1x16000xf32>
    %mul3A_212 = arith.mulf %mul3A_211, %div3A_194 : vector<1x16000xf32>
    %sub3A_213 = arith.subf %mul3A_209, %mul3A_212 : vector<1x16000xf32>
    %div3A_214 = arith.constant 6.000000e+00 : f32
    %div3A_215 = vector.broadcast %div3A_214 : f32 to vector<1x16000xf32>
    %div3A_216 = arith.divf %sub3A_213, %div3A_215 : vector<1x16000xf32>
    %slice3A = vector.extract_strided_slice %mul3A_85 {offsets = [0, 0], sizes = [6, 16000], strides = [1, 1]} : vector<42x16000xf32> to vector<6x16000xf32>
    %mul3A_217 = arith.constant 0.282094806 : f32
    %mul3A_218 = vector.broadcast %mul3A_217 : f32 to vector<1x16000xf32>
    %mul3A_219 = arith.mulf %mul3A_218, %broadcast_in_dim3A_161 : vector<1x16000xf32>
    %broadcast_in_dim3A_220 = vector.shape_cast %mul3A_219 : vector<1x16000xf32> to vector<1x16000xf32>
    %broadcast_in_dim3A_221 = vector.broadcast %broadcast_in_dim3A_220 : vector<1x16000xf32> to vector<6x16000xf32>
    %get3A_222 = arith.constant 0 : index
    %get3A_223 = arith.constant 0 : index
    %get3A_224 = vector.load %arg4[%get3A_222, %get3A_223] : memref<42x1xf32, #tpu.memory_space<vmem>>, vector<6x1xf32>
    %mul3A_225 = vector.broadcast %get3A_224 : vector<6x1xf32> to vector<6x16000xf32>
    %mul3A_226 = arith.mulf %slice3A, %mul3A_225 : vector<6x16000xf32>
    %mul3A_227 = arith.mulf %mul3A_226, %broadcast_in_dim3A_221 : vector<6x16000xf32>
    %slice3A_228 = vector.extract_strided_slice %mul3A_87 {offsets = [6, 0], sizes = [6, 16000], strides = [1, 1]} : vector<42x16000xf32> to vector<6x16000xf32>
    %mul3A_229 = arith.constant 0.488602519 : f32
    %mul3A_230 = vector.broadcast %mul3A_229 : f32 to vector<1x16000xf32>
    %mul3A_231 = arith.mulf %mul3A_230, %select_n3A_160 : vector<1x16000xf32>
    %broadcast_in_dim3A_232 = vector.shape_cast %mul3A_231 : vector<1x16000xf32> to vector<1x16000xf32>
    %broadcast_in_dim3A_233 = vector.broadcast %broadcast_in_dim3A_232 : vector<1x16000xf32> to vector<6x16000xf32>
    %get3A_234 = arith.constant 6 : index
    %get3A_235 = arith.constant 0 : index
    %get3A_236 = vector.load %arg4[%get3A_234, %get3A_235] : memref<42x1xf32, #tpu.memory_space<vmem>>, vector<6x1xf32>
    %mul3A_237 = vector.broadcast %get3A_236 : vector<6x1xf32> to vector<6x16000xf32>
    %mul3A_238 = arith.mulf %slice3A_228, %mul3A_237 : vector<6x16000xf32>
    %mul3A_239 = arith.mulf %mul3A_238, %broadcast_in_dim3A_233 : vector<6x16000xf32>
    %slice3A_240 = vector.extract_strided_slice %mul3A_85 {offsets = [12, 0], sizes = [6, 16000], strides = [1, 1]} : vector<42x16000xf32> to vector<6x16000xf32>
    %slice3A_241 = vector.extract_strided_slice %mul3A_87 {offsets = [12, 0], sizes = [6, 16000], strides = [1, 1]} : vector<42x16000xf32> to vector<6x16000xf32>
    %slice3A_242 = vector.extract_strided_slice %div3A_84 {offsets = [12, 0], sizes = [6, 16000], strides = [1, 1]} : vector<42x16000xf32> to vector<6x16000xf32>
    %mul3A_243 = arith.constant 3.000000e+00 : f32
    %mul3A_244 = vector.broadcast %mul3A_243 : f32 to vector<6x16000xf32>
    %mul3A_245 = arith.mulf %mul3A_244, %slice3A_242 : vector<6x16000xf32>
    %mul3A_246 = arith.mulf %mul3A_245, %slice3A_241 : vector<6x16000xf32>
    %sub3A_247 = arith.subf %mul3A_246, %slice3A_240 : vector<6x16000xf32>
    %mul3A_248 = arith.constant 0.63078314 : f32
    %mul3A_249 = vector.broadcast %mul3A_248 : f32 to vector<1x16000xf32>
    %mul3A_250 = arith.mulf %mul3A_249, %div3A_172 : vector<1x16000xf32>
    %broadcast_in_dim3A_251 = vector.shape_cast %mul3A_250 : vector<1x16000xf32> to vector<1x16000xf32>
    %broadcast_in_dim3A_252 = vector.broadcast %broadcast_in_dim3A_251 : vector<1x16000xf32> to vector<6x16000xf32>
    %get3A_253 = arith.constant 12 : index
    %get3A_254 = arith.constant 0 : index
    %get3A_255 = vector.load %arg4[%get3A_253, %get3A_254] : memref<42x1xf32, #tpu.memory_space<vmem>>, vector<6x1xf32>
    %mul3A_256 = vector.broadcast %get3A_255 : vector<6x1xf32> to vector<6x16000xf32>
    %mul3A_257 = arith.mulf %sub3A_247, %mul3A_256 : vector<6x16000xf32>
    %mul3A_258 = arith.mulf %mul3A_257, %broadcast_in_dim3A_252 : vector<6x16000xf32>
    %slice3A_259 = vector.extract_strided_slice %mul3A_85 {offsets = [18, 0], sizes = [6, 16000], strides = [1, 1]} : vector<42x16000xf32> to vector<6x16000xf32>
    %slice3A_260 = vector.extract_strided_slice %mul3A_87 {offsets = [18, 0], sizes = [6, 16000], strides = [1, 1]} : vector<42x16000xf32> to vector<6x16000xf32>
    %slice3A_261 = vector.extract_strided_slice %div3A_84 {offsets = [18, 0], sizes = [6, 16000], strides = [1, 1]} : vector<42x16000xf32> to vector<6x16000xf32>
    %mul3A_262 = arith.constant 3.000000e+00 : f32
    %mul3A_263 = vector.broadcast %mul3A_262 : f32 to vector<6x16000xf32>
    %mul3A_264 = arith.mulf %mul3A_263, %slice3A_261 : vector<6x16000xf32>
    %mul3A_265 = arith.mulf %mul3A_264, %slice3A_260 : vector<6x16000xf32>
    %sub3A_266 = arith.subf %mul3A_265, %slice3A_259 : vector<6x16000xf32>
    %mul3A_267 = arith.constant 5.000000e+00 : f32
    %mul3A_268 = vector.broadcast %mul3A_267 : f32 to vector<6x16000xf32>
    %mul3A_269 = arith.mulf %mul3A_268, %slice3A_261 : vector<6x16000xf32>
    %mul3A_270 = arith.mulf %mul3A_269, %sub3A_266 : vector<6x16000xf32>
    %sub3A_271 = arith.subf %mul3A_270, %slice3A_260 : vector<6x16000xf32>
    %mul3A_272 = arith.constant 0.746352672 : f32
    %mul3A_273 = vector.broadcast %mul3A_272 : f32 to vector<1x16000xf32>
    %mul3A_274 = arith.mulf %mul3A_273, %div3A_183 : vector<1x16000xf32>
    %broadcast_in_dim3A_275 = vector.shape_cast %mul3A_274 : vector<1x16000xf32> to vector<1x16000xf32>
    %broadcast_in_dim3A_276 = vector.broadcast %broadcast_in_dim3A_275 : vector<1x16000xf32> to vector<6x16000xf32>
    %get3A_277 = arith.constant 18 : index
    %get3A_278 = arith.constant 0 : index
    %get3A_279 = vector.load %arg4[%get3A_277, %get3A_278] : memref<42x1xf32, #tpu.memory_space<vmem>>, vector<6x1xf32>
    %mul3A_280 = vector.broadcast %get3A_279 : vector<6x1xf32> to vector<6x16000xf32>
    %mul3A_281 = arith.mulf %sub3A_271, %mul3A_280 : vector<6x16000xf32>
    %mul3A_282 = arith.mulf %mul3A_281, %broadcast_in_dim3A_276 : vector<6x16000xf32>
    %slice3A_283 = vector.extract_strided_slice %mul3A_85 {offsets = [24, 0], sizes = [6, 16000], strides = [1, 1]} : vector<42x16000xf32> to vector<6x16000xf32>
    %slice3A_284 = vector.extract_strided_slice %mul3A_87 {offsets = [24, 0], sizes = [6, 16000], strides = [1, 1]} : vector<42x16000xf32> to vector<6x16000xf32>
    %slice3A_285 = vector.extract_strided_slice %div3A_84 {offsets = [24, 0], sizes = [6, 16000], strides = [1, 1]} : vector<42x16000xf32> to vector<6x16000xf32>
    %mul3A_286 = arith.constant 3.000000e+00 : f32
    %mul3A_287 = vector.broadcast %mul3A_286 : f32 to vector<6x16000xf32>
    %mul3A_288 = arith.mulf %mul3A_287, %slice3A_285 : vector<6x16000xf32>
    %mul3A_289 = arith.mulf %mul3A_288, %slice3A_284 : vector<6x16000xf32>
    %sub3A_290 = arith.subf %mul3A_289, %slice3A_283 : vector<6x16000xf32>
    %mul3A_291 = arith.constant 5.000000e+00 : f32
    %mul3A_292 = vector.broadcast %mul3A_291 : f32 to vector<6x16000xf32>
    %mul3A_293 = arith.mulf %mul3A_292, %slice3A_285 : vector<6x16000xf32>
    %mul3A_294 = arith.mulf %mul3A_293, %sub3A_290 : vector<6x16000xf32>
    %sub3A_295 = arith.subf %mul3A_294, %slice3A_284 : vector<6x16000xf32>
    %mul3A_296 = arith.constant 7.000000e+00 : f32
    %mul3A_297 = vector.broadcast %mul3A_296 : f32 to vector<6x16000xf32>
    %mul3A_298 = arith.mulf %mul3A_297, %slice3A_285 : vector<6x16000xf32>
    %mul3A_299 = arith.mulf %mul3A_298, %sub3A_295 : vector<6x16000xf32>
    %sub3A_300 = arith.subf %mul3A_299, %sub3A_290 : vector<6x16000xf32>
    %mul3A_301 = arith.constant 0.846284389 : f32
    %mul3A_302 = vector.broadcast %mul3A_301 : f32 to vector<1x16000xf32>
    %mul3A_303 = arith.mulf %mul3A_302, %div3A_194 : vector<1x16000xf32>
    %broadcast_in_dim3A_304 = vector.shape_cast %mul3A_303 : vector<1x16000xf32> to vector<1x16000xf32>
    %broadcast_in_dim3A_305 = vector.broadcast %broadcast_in_dim3A_304 : vector<1x16000xf32> to vector<6x16000xf32>
    %get3A_306 = arith.constant 24 : index
    %get3A_307 = arith.constant 0 : index
    %get3A_308 = vector.load %arg4[%get3A_306, %get3A_307] : memref<42x1xf32, #tpu.memory_space<vmem>>, vector<6x1xf32>
    %mul3A_309 = vector.broadcast %get3A_308 : vector<6x1xf32> to vector<6x16000xf32>
    %mul3A_310 = arith.mulf %sub3A_300, %mul3A_309 : vector<6x16000xf32>
    %mul3A_311 = arith.mulf %mul3A_310, %broadcast_in_dim3A_305 : vector<6x16000xf32>
    %slice3A_312 = vector.extract_strided_slice %mul3A_85 {offsets = [30, 0], sizes = [6, 16000], strides = [1, 1]} : vector<42x16000xf32> to vector<6x16000xf32>
    %slice3A_313 = vector.extract_strided_slice %mul3A_87 {offsets = [30, 0], sizes = [6, 16000], strides = [1, 1]} : vector<42x16000xf32> to vector<6x16000xf32>
    %slice3A_314 = vector.extract_strided_slice %div3A_84 {offsets = [30, 0], sizes = [6, 16000], strides = [1, 1]} : vector<42x16000xf32> to vector<6x16000xf32>
    %mul3A_315 = arith.constant 3.000000e+00 : f32
    %mul3A_316 = vector.broadcast %mul3A_315 : f32 to vector<6x16000xf32>
    %mul3A_317 = arith.mulf %mul3A_316, %slice3A_314 : vector<6x16000xf32>
    %mul3A_318 = arith.mulf %mul3A_317, %slice3A_313 : vector<6x16000xf32>
    %sub3A_319 = arith.subf %mul3A_318, %slice3A_312 : vector<6x16000xf32>
    %mul3A_320 = arith.constant 5.000000e+00 : f32
    %mul3A_321 = vector.broadcast %mul3A_320 : f32 to vector<6x16000xf32>
    %mul3A_322 = arith.mulf %mul3A_321, %slice3A_314 : vector<6x16000xf32>
    %mul3A_323 = arith.mulf %mul3A_322, %sub3A_319 : vector<6x16000xf32>
    %sub3A_324 = arith.subf %mul3A_323, %slice3A_313 : vector<6x16000xf32>
    %mul3A_325 = arith.constant 7.000000e+00 : f32
    %mul3A_326 = vector.broadcast %mul3A_325 : f32 to vector<6x16000xf32>
    %mul3A_327 = arith.mulf %mul3A_326, %slice3A_314 : vector<6x16000xf32>
    %mul3A_328 = arith.mulf %mul3A_327, %sub3A_324 : vector<6x16000xf32>
    %sub3A_329 = arith.subf %mul3A_328, %sub3A_319 : vector<6x16000xf32>
    %mul3A_330 = arith.constant 9.000000e+00 : f32
    %mul3A_331 = vector.broadcast %mul3A_330 : f32 to vector<6x16000xf32>
    %mul3A_332 = arith.mulf %mul3A_331, %slice3A_314 : vector<6x16000xf32>
    %mul3A_333 = arith.mulf %mul3A_332, %sub3A_329 : vector<6x16000xf32>
    %sub3A_334 = arith.subf %mul3A_333, %sub3A_324 : vector<6x16000xf32>
    %mul3A_335 = arith.constant 0.935602605 : f32
    %mul3A_336 = vector.broadcast %mul3A_335 : f32 to vector<1x16000xf32>
    %mul3A_337 = arith.mulf %mul3A_336, %div3A_205 : vector<1x16000xf32>
    %broadcast_in_dim3A_338 = vector.shape_cast %mul3A_337 : vector<1x16000xf32> to vector<1x16000xf32>
    %broadcast_in_dim3A_339 = vector.broadcast %broadcast_in_dim3A_338 : vector<1x16000xf32> to vector<6x16000xf32>
    %get3A_340 = arith.constant 30 : index
    %get3A_341 = arith.constant 0 : index
    %get3A_342 = vector.load %arg4[%get3A_340, %get3A_341] : memref<42x1xf32, #tpu.memory_space<vmem>>, vector<6x1xf32>
    %mul3A_343 = vector.broadcast %get3A_342 : vector<6x1xf32> to vector<6x16000xf32>
    %mul3A_344 = arith.mulf %sub3A_334, %mul3A_343 : vector<6x16000xf32>
    %mul3A_345 = arith.mulf %mul3A_344, %broadcast_in_dim3A_339 : vector<6x16000xf32>
    %slice3A_346 = vector.extract_strided_slice %mul3A_85 {offsets = [36, 0], sizes = [6, 16000], strides = [1, 1]} : vector<42x16000xf32> to vector<6x16000xf32>
    %slice3A_347 = vector.extract_strided_slice %mul3A_87 {offsets = [36, 0], sizes = [6, 16000], strides = [1, 1]} : vector<42x16000xf32> to vector<6x16000xf32>
    %slice3A_348 = vector.extract_strided_slice %div3A_84 {offsets = [36, 0], sizes = [6, 16000], strides = [1, 1]} : vector<42x16000xf32> to vector<6x16000xf32>
    %mul3A_349 = arith.constant 3.000000e+00 : f32
    %mul3A_350 = vector.broadcast %mul3A_349 : f32 to vector<6x16000xf32>
    %mul3A_351 = arith.mulf %mul3A_350, %slice3A_348 : vector<6x16000xf32>
    %mul3A_352 = arith.mulf %mul3A_351, %slice3A_347 : vector<6x16000xf32>
    %sub3A_353 = arith.subf %mul3A_352, %slice3A_346 : vector<6x16000xf32>
    %mul3A_354 = arith.constant 5.000000e+00 : f32
    %mul3A_355 = vector.broadcast %mul3A_354 : f32 to vector<6x16000xf32>
    %mul3A_356 = arith.mulf %mul3A_355, %slice3A_348 : vector<6x16000xf32>
    %mul3A_357 = arith.mulf %mul3A_356, %sub3A_353 : vector<6x16000xf32>
    %sub3A_358 = arith.subf %mul3A_357, %slice3A_347 : vector<6x16000xf32>
    %mul3A_359 = arith.constant 7.000000e+00 : f32
    %mul3A_360 = vector.broadcast %mul3A_359 : f32 to vector<6x16000xf32>
    %mul3A_361 = arith.mulf %mul3A_360, %slice3A_348 : vector<6x16000xf32>
    %mul3A_362 = arith.mulf %mul3A_361, %sub3A_358 : vector<6x16000xf32>
    %sub3A_363 = arith.subf %mul3A_362, %sub3A_353 : vector<6x16000xf32>
    %mul3A_364 = arith.constant 9.000000e+00 : f32
    %mul3A_365 = vector.broadcast %mul3A_364 : f32 to vector<6x16000xf32>
    %mul3A_366 = arith.mulf %mul3A_365, %slice3A_348 : vector<6x16000xf32>
    %mul3A_367 = arith.mulf %mul3A_366, %sub3A_363 : vector<6x16000xf32>
    %sub3A_368 = arith.subf %mul3A_367, %sub3A_358 : vector<6x16000xf32>
    %mul3A_369 = arith.constant 1.100000e+01 : f32
    %mul3A_370 = vector.broadcast %mul3A_369 : f32 to vector<6x16000xf32>
    %mul3A_371 = arith.mulf %mul3A_370, %slice3A_348 : vector<6x16000xf32>
    %mul3A_372 = arith.mulf %mul3A_371, %sub3A_368 : vector<6x16000xf32>
    %sub3A_373 = arith.subf %mul3A_372, %sub3A_363 : vector<6x16000xf32>
    %mul3A_374 = arith.constant 1.01710725 : f32
    %mul3A_375 = vector.broadcast %mul3A_374 : f32 to vector<1x16000xf32>
    %mul3A_376 = arith.mulf %mul3A_375, %div3A_216 : vector<1x16000xf32>
    %broadcast_in_dim3A_377 = vector.shape_cast %mul3A_376 : vector<1x16000xf32> to vector<1x16000xf32>
    %broadcast_in_dim3A_378 = vector.broadcast %broadcast_in_dim3A_377 : vector<1x16000xf32> to vector<6x16000xf32>
    %get3A_379 = arith.constant 36 : index
    %get3A_380 = arith.constant 0 : index
    %get3A_381 = vector.load %arg4[%get3A_379, %get3A_380] : memref<42x1xf32, #tpu.memory_space<vmem>>, vector<6x1xf32>
    %mul3A_382 = vector.broadcast %get3A_381 : vector<6x1xf32> to vector<6x16000xf32>
    %mul3A_383 = arith.mulf %sub3A_373, %mul3A_382 : vector<6x16000xf32>
    %mul3A_384 = arith.mulf %mul3A_383, %broadcast_in_dim3A_378 : vector<6x16000xf32>
    %concatenate3A = tpu.concatenate %mul3A_227, %mul3A_239, %mul3A_258, %mul3A_282, %mul3A_311, %mul3A_345, %mul3A_384 in 0 : vector<6x16000xf32>, vector<6x16000xf32>, vector<6x16000xf32>, vector<6x16000xf32>, vector<6x16000xf32>, vector<6x16000xf32>, vector<6x16000xf32> -> vector<42x16000xf32>
    %transpose3A = tpu.transpose %concatenate3A, [1, 0] : vector<42x16000xf32> -> vector<16000x42xf32>
    %swap3A = arith.constant 0 : index
    %swap3A_385 = arith.constant 0 : index
    %swap3A_386 = vector.load %arg5[%swap3A, %swap3A_385] : memref<16000x42xf32, #tpu.memory_space<vmem>>, vector<16000x42xf32>
    tpu.vector_store %arg5[%swap3A, %swap3A_385], %transpose3A {strides = array<i32>} : memref<16000x42xf32, #tpu.memory_space<vmem>>, vector<16000x42xf32>,
    return
  }
  func.func @transform_0(%arg0: i32) -> (i32, i32, i32) {
    %c0_i32 = arith.constant 0 : i32
    %c0_i32_0 = arith.constant 0 : i32
    %c0_i32_1 = arith.constant 0 : i32
    return %arg0, %c0_i32, %c0_i32_0 : i32, i32, i32
  }
  func.func @transform_1(%arg0: i32) -> (i32, i32, i32) {
    %c0_i32 = arith.constant 0 : i32
    %c0_i32_0 = arith.constant 0 : i32
    %c0_i32_1 = arith.constant 0 : i32
    return %arg0, %c0_i32, %c0_i32_0 : i32, i32, i32
  }
  func.func @transform_2(%arg0: i32) -> (i32, i32) {
    %c0_i32 = arith.constant 0 : i32
    %c0_i32_0 = arith.constant 0 : i32
    %c0_i32_1 = arith.constant 0 : i32
    return %c0_i32, %c0_i32_0 : i32, i32
  }
  func.func @transform_3(%arg0: i32) -> (i32, i32) {
    %c0_i32 = arith.constant 0 : i32
    %c0_i32_0 = arith.constant 0 : i32
    %c0_i32_1 = arith.constant 0 : i32
    return %c0_i32, %c0_i32_0 : i32, i32
  }
  func.func @transform_4(%arg0: i32) -> (i32, i32) {
    %c0_i32 = arith.constant 0 : i32
    %c0_i32_0 = arith.constant 0 : i32
    return %arg0, %c0_i32 : i32, i32
  }
}

</mosaic_0001>

<sc_bundles>
// kernel: kernel.4.cloned.1.call-start
scs
__scs_entry_jumppad:
0x0: {  	(pc) =	sbr.rel $0x88, $3  }
0x1: {  	(tag) =	ssettag $0x0;
	lr =	simm.s32 $0x1  }
0x2: {  	[smem:$0x3F9C] =	sst lr;
	_ =	strace $0xD0000000  }
0x3: {  	_ = 	snop  }
0x4: {  	_ = 	snop  }
0x5: {  	_ = 	snop  }
0x6: {  	_ = 	snop  }
0x7: {  	_ = 	snop  }
__scs_overlays_trampoline_lowered:
0x8: {  	[smem:$0x3FAB] =	sst s0  }
0x9: {  	[smem:$0x3FAC] =	sst s1  }
0xa: {  	[smem:$0x3FAD] =	sst s2  }
0xb: {  	[smem:$0x3FAE] =	sst s3  }
0xc: {  	[smem:$0x3FAF] =	sst s4  }
0xd: {  	[smem:$0x3FB0] =	sst s5  }
0xe: {  	[smem:$0x3FB1] =	sst s6  }
0xf: {  	[smem:$0x3FB2] =	sst s7  }
0x10: {  	[smem:$0x3FB3] =	sst s8  }
0x11: {  	[smem:$0x3FB4] =	sst s9;
	s0 =	simm.s32 @!p0 $0x0  }
0x12: {  	s1 =	sld [smem:$0x3F9A];
	s0 =	simm.s32 @p0 $0x1  }
0x13: {  	[smem:$0x3FB5] =	sst s0;
	s0 =	simm.s32 @!p1 $0x0  }
0x14: {  	s2 =	sld [smem:$0x3F99];
	s0 =	simm.s32 @p1 $0x1  }
0x15: {  	[smem:$0x3FB6] =	sst s0;
	s0 =	simm.s32 @!p2 $0x0  }
0x16: {  	s3 =	sld [smem:$0x3FDB];
	s0 =	simm.s32 @p2 $0x1  }
0x17: {  	s4 =	simm.s32 $0x1BF5;
	[smem:$0x3FB8] =	sst s0  }
0x18: {  	s0 =	sld [smem:$0x3F9B];
	_ =	swait.ge [sflag:s4], $0x0  }
0x19: {  	s7 =	sld [smem:$0x3F9C]  }
0x1a: {  	s8 =	sadd.s32 $0xFFFFE003, lr  }
0x1b: {  	s9 =	sadd.s32 $0xFFFFFEF7, lr;
	s5 =	simm.s32 $0xFFFFFFFF;
	p2 =	slt.u32 s8, $0xFFFFF086  }
0x1c: {  	p1 =	slt.u32 s9, $0xF7A;
	s5 =	simm.s32 @!p2 $0x0  }
0x1d: {  	s5 =	simm.s32 @p1 $0x1;
	p0 =	seq.s32 s7, s2  }
0x1e: {  	s7 =	smul.u32 @!p0 $0xF7A, s2;
	p2 =	seq.s32 @!p0 s5, $0x0  }
0x1f: {  	s9 =	smul.u32 $0xF7A, s1;
	s8 =	simm.s32 @!p0 $0x1BF5;
	p2 =	por !p2, p0  }
0x20: {  	[sflag:s8] =	ssyncset.s32 @!p0 $0xFFFFF086;
	s6 =	sadd.s32 @!p0 s3, s7;
	s7 =	simm.s32 @!p0 $0x108  }
0x21: {  	s3 =	sadd.s32 s3, s9;
	s6 =	sadd.s32 @!p0 $0x88, s6;
	s7 =	simm.s32 @p2 $0x1082  }
0x22: {  	[simem:s7], [sflag:s8] =	dma.local @!p0 [hbm:s6], $0xF7A  }
0x23: {  	s9 =	sor.u32 $0xD0000000, s2;
	s6 =	simm.s32 $0x108;
	_ =	swait.ge @!p0 [sflag:s8], $0x0  }
0x24: {  	s3 =	sadd.s32 $0x88, s3;
	s6 =	simm.s32 @!p1 $0x1082;
	[sflag:s4] =	ssyncset.s32 $0xFFFFF086  }
0x25: {  	[simem:s6], [sflag:s4] =	dma.local [hbm:s3], $0xF7A  }
0x26: {  	[smem:$0x3F9C] =	sst s1;
	(tag) =	ssettag s2;
	_ =	strace s9  }
0x27: {  	s1 =	sld [smem:$0x3FAC]  }
0x28: {  	s2 =	sld [smem:$0x3FAD]  }
0x29: {  	s4 =	sld [smem:$0x3FAF]  }
0x2a: {  	p0 =	seq.s32 s5, $0x0;
	s5 =	sld [smem:$0x3FB0]  }
0x2b: {  	s6 =	sld [smem:$0x3FB1]  }
0x2c: {  	s7 =	sld [smem:$0x3FB2]  }
0x2d: {  	s3 =	simm.s32 $0x108;
	s8 =	sld [smem:$0x3FB3]  }
0x2e: {  	s3 =	simm.s32 @!p0 $0x1082;
	s9 =	sld [smem:$0x3FB4]  }
0x2f: {  	lr =	sadd.s32 s0, s3;
	s0 =	sld [smem:$0x3FAB]  }
0x30: {  	s3 =	sld [smem:$0x3FAE]  }
0x31: {  	[smem:$0x3FB7] =	sst s10  }
0x32: {  	s10 =	sld [smem:$0x3FB5];
	_ =	sdelay $0x3  }
0x33: {  	p0 =	seq.s32 s10, $0x1;
	s10 =	sld [smem:$0x3FB7];
	_ =	sdelay $0x3  }
0x34: {  	[smem:$0x3FB7] =	sst s10  }
0x35: {  	s10 =	sld [smem:$0x3FB6];
	_ =	sdelay $0x3  }
0x36: {  	p1 =	seq.s32 s10, $0x1;
	s10 =	sld [smem:$0x3FB7];
	_ =	sdelay $0x3  }
0x37: {  	[smem:$0x3FB7] =	sst s10  }
0x38: {  	s10 =	sld [smem:$0x3FB8]  }
0x39: {  	_ = 	snop;
	(pc) =	sbr.ind lr, $3  }
0x3a: {  	_ = 	snop  }
0x3b: {  	_ = 	snop  }
0x3c: {  	p2 =	seq.s32 s10, $0x1;
	s10 =	sld [smem:$0x3FB7]  }
0x3d: {  	_ =	shalt  }
0x3e: {  	_ =	shalt  }
0x3f: {  	_ =	shalt  }
0x40: {  	_ =	shalt  }
0x41: {  	_ =	shalt  }
0x42: {  	_ =	shalt  }
0x43: {  	_ =	shalt  }
0x44: {  	_ =	shalt  }
0x45: {  	_ =	shalt  }
0x46: {  	_ =	shalt  }
0x47: {  	_ =	shalt  }
0x48: {  	_ =	shalt  }
0x49: {  	_ =	shalt  }
0x4a: {  	_ =	shalt  }
0x4b: {  	_ =	shalt  }
0x4c: {  	_ =	shalt  }
0x4d: {  	_ =	shalt  }
0x4e: {  	_ =	shalt  }
0x4f: {  	_ =	shalt  }
0x50: {  	_ =	shalt  }
0x51: {  	_ =	shalt  }
0x52: {  	_ =	shalt  }
0x53: {  	_ =	shalt  }
0x54: {  	_ =	shalt  }
0x55: {  	_ =	shalt  }
0x56: {  	_ =	shalt  }
0x57: {  	_ =	shalt  }
0x58: {  	_ =	shalt  }
0x59: {  	_ =	shalt  }
0x5a: {  	_ =	shalt  }
0x5b: {  	_ =	shalt  }
0x5c: {  	_ =	shalt  }
0x5d: {  	_ =	shalt  }
0x5e: {  	_ =	shalt  }
0x5f: {  	_ =	shalt  }
0x60: {  	_ =	shalt  }
0x61: {  	_ =	shalt  }
0x62: {  	_ =	shalt  }
0x63: {  	_ =	shalt  }
0x64: {  	_ =	shalt  }
0x65: {  	_ =	shalt  }
0x66: {  	_ =	shalt  }
0x67: {  	_ =	shalt  }
0x68: {  	_ =	shalt  }
0x69: {  	_ =	shalt  }
0x6a: {  	_ =	shalt  }
0x6b: {  	_ =	shalt  }
0x6c: {  	_ =	shalt  }
0x6d: {  	_ =	shalt  }
0x6e: {  	_ =	shalt  }
0x6f: {  	_ =	shalt  }
0x70: {  	_ =	shalt  }
0x71: {  	_ =	shalt  }
0x72: {  	_ =	shalt  }
0x73: {  	_ =	shalt  }
0x74: {  	_ =	shalt  }
0x75: {  	_ =	shalt  }
0x76: {  	_ =	shalt  }
0x77: {  	_ =	shalt  }
0x78: {  	_ =	shalt  }
0x79: {  	_ =	shalt  }
0x7a: {  	_ =	shalt  }
0x7b: {  	_ =	shalt  }
0x7c: {  	_ =	shalt  }
0x7d: {  	_ =	shalt  }
0x7e: {  	_ =	shalt  }
0x7f: {  	_ =	shalt  }
0x80: {  	_ =	shalt  }
0x81: {  	_ =	shalt  }
0x82: {  	_ =	shalt  }
0x83: {  	_ =	shalt  }
0x84: {  	_ =	shalt  }
0x85: {  	_ =	shalt  }
0x86: {  	_ =	shalt  }
0x87: {  	_ =	shalt  }
.Lfunc_end0:
.L_simem_size_0:
called_computation_lowered:
.L_overlay_start_0:
0x88: {  	s2 =	sld [smem:$0x3FD9]  }
0x89: {  	s3 =	sld [smem:$0x3FFE];
	_ =	sdelay $0x1  }
0x8a: {  	s1 =	srdreg.scid  }
0x8b: {  	s0 =	sand.u32 $0x1, s1  }
0x8c: {  	s17 =	sshll.u32 s0, $0xA;
	s2 =	sadd.s32 s3, s2  }
0x8d: {  	s2 =	sadd.s32 s2, s17  }
0x8e: {  	[smem:$0x3FC3] =	sst s2  }
0x8f: {  	_ = 	snop  }
0x90: {  	s2 =	sld [smem:$0x3FC9]  }
0x91: {  	s18 =	sld [smem:$0x3FD0];
	(tm) =	ssettm $0x1  }
0x92: {  	s4 =	sld [smem:$0x3FFB];
	_ =	sdelay $0x3  }
0x93: {  	_ =	strace s4  }
0x94: {  	s4 =	sld [smem:$0x3FFC];
	_ =	sdelay $0x3  }
0x95: {  	_ =	strace s4  }
0x96: {  	s4 =	sld [smem:$0x3FFD];
	_ =	sdelay $0x3  }
0x97: {  	_ =	strace s4  }
0x98: {  	_ =	strace $0x8FFFFFFF  }
0x99: {  	s19 =	sld [smem:$0x3FDB];
	_ =	sdelay $0x1  }
0x9a: {  	s5 =	simm.s32 $_scs_section_size  }
0x9b: {  	s6 =	simm.s32 $_size__tile_overlayer_lowered;
	s7 =	simm.s32 $_tile_overlayer_lowered  }
0x9c: {  	s22 =	simm.s32 $0x1BFF;
	s21 =	sshll.u32 s7, $0x1;
	s4 =	sadd.s32 s5, s19  }
0x9d: {  	s8 =	simm.s32 $0x0;
	s20 =	sshll.u32 s6, $0x1;
	s6 =	sadd.s32 s21, s4  }
0x9e: {  	[timem:s8], [sflag:s22] =	dma.local [hbm:s6], s20  }
0x9f: {  	_ =	swait.ge [sflag:s22], s20  }
0xa0: {  	s5 =	ssub.s32 $0x0, s20;
	[sflag:s22] =	ssyncset.done $0x0  }
0xa1: {  	[sflag:s22] =	ssyncadd.s32 s5;
	_ =	sdelay $0x1  }
0xa2: {  	s23 =	simm.s32 $0x1B8B  }
0xa3: {  	_ =	swait.ge [sflag:s23], $0x1  }
0xa4: {  	[sflag:s23] =	ssyncset.done $0x0  }
0xa5: {  	s25 =	simm.s32 $0x1B8E;
	s24 =	sld [smem:$0x3FFE];
	[sflag:s23] =	ssyncadd.s32 $0xFFFFFFFF  }
0xa6: {  	s26 =	simm.s32 $execute0_lowered;
	[smem:$0x3FD2] =	sst s25  }
0xa7: {  	s6 =	sshll.u32 s26, $0x1;
	_ =	strace $0x80000046;
	[dreg:$0x1] =	wrdreg $0xFFFFFFFF  }
0xa8: {  	s28 =	simm.s32 $_size_execute0_lowered;
	s4 =	sadd.s32 s4, s6;
	[dreg:$0x0] =	wrdreg $0x0  }
0xa9: {  	s6 =	sshll.u32 s28, $0x1;
	[dreg:$0x2] =	wrdreg s4  }
0xaa: {  	[dreg:$0x3] =	wrdreg s6  }
0xab: {  	[dreg:$0x4] =	wrdreg $0xC0  }
0xac: {  	_ =	task [dreg:s8], $0x5FFFF  }
0xad: {  	[dreg:$0x1] =	wrdreg $0xFFFFFFFF  }
0xae: {  	[dreg:$0x0] =	wrdreg $0x60  }
0xaf: {  	[dreg:$0x2] =	wrdreg s2  }
0xb0: {  	[dreg:$0x3] =	wrdreg s18  }
0xb1: {  	[dreg:$0x4] =	wrdreg s24  }
0xb2: {  	[dreg:$0x5] =	wrdreg $0x9  }
0xb3: {  	_ =	task.clear_ibuf [dreg:s8], $0x6FFFF;
	_ =	strace $0x90000046  }
0xb4: {  	s29 =	simm.s32 $0x9;
	_ =	strace $0x80000048  }
0xb5: {  	_ =	swait.ge [sflag:s29], $0x1  }
0xb6: {  	[sflag:s29] =	ssyncadd.s32 $0xFFFFFFFF  }
0xb7: {  	_ =	strace $0x90000048  }
0xb8: {  	_ =	sfence  }
0xb9: {  	s30 =	sld [smem:$0x0];
	_ =	sdelay $0x2  }
0xba: {  	s31 =	sshll.u32 s1, $0xD;
	s1 =	sshrl.u32 s1, $0x2  }
0xbb: {  	s3 =	sand.u32 $0x4000, s31;
	s1 =	sadd.s32 s1, s30  }
0xbc: {  	s0 =	sor.u32 s3, s0;
	s1 =	sshll.u32 s1, $0x11  }
0xbd: {  	s0 =	sor.u32 s1, s0  }
0xbe: {  	s0 =	sadd.s32 $0x8F2B, s0  }
0xbf: {  	[sflag:s0] =	ssyncadd.remote.s32 $0x1  }
0xc0: {  	_ =	sfence.sel $0xFFFF  }
0xc1: {  	[dreg:$0x0] =	wrdreg $0xFFFFFFFF;
	(pc) =	sbr.abs _section_cstart, $3  }
0xc2: {  	[dreg:$0x1] =	wrdreg $0xFFFFFFFF  }
0xc3: {  	_ =	task.clear_ibuf [dreg:s8], $0x2FFFF;
	_ =	strace $0x9FFFFFFF  }
0xc4: {  	(tm) =	ssettm $0x7FFFFFFF  }
0xc5: {  	_ =	shalt  }
tec
execute0_lowered:
.L_overlay_start_1:
0x0: {  	(tag) =	ssettag $0x1  }
0x1: {  	s1 =	rddreg [dreg:$0x0];
	s2 =	srdreg.scid  }
0x2: {  	s0 =	stileid.u32;
	s4 =	rddreg [dreg:$0x1]  }
0x3: {  	s6 =	rddreg [dreg:$0x2];
	s3 =	simm.s32 $0x0;
	s9 =	simm.s32 $0x1  }
0x4: {  	s10 =	simm.s32 $0x6400;
	s5 =	sand.u32 $0x1, s2;
	s31 =	sshll.u32 s0, $0x1  }
0x5: {  	s11 =	simm.s32 $0x0;
	s7 =	sor.u32 s5, s31;
	s5 =	ssub.s32 $0x2, s5  }
0x6: {  	[smem:$0x7FF] =	sst s3;
	s7 =	smul.u32 $0xC80, s7;
	s8 =	sshrl.u32 s5, $0x1  }
0x7: {  	s2 =	rddreg [dreg:$0x3];
	_ =	strace $0x80000047;
	s8 =	ssub.s32 s5, s8  }
0x8: {  	s6 =	sadd.s32 s7, s6;
	s4 =	sadd.s32 s4, s7;
	s7 =	simm.s32 $0x2  }
0x9: {  	s5 =	sadd.s32 $0xA00, s6;
	s6 =	smax.u32 s8, $0x1;
	s8 =	simm.s32 $0x80  }
.LBB2_1:
0xa: {  	[tilespmem:s3], [sflag:$0x2] =	stream.linear.gather [hbm4b:s4+s3], $0x6200, $0x38;
	[tilespmem:$0xC800] =	vst v63  }
0xb: {  	_ =	swait.ge [sflag:s7], $0x6200  }
0xc: {  	[sflag:s7] =	ssyncset.done $0x0  }
0xd: {  	s12 =	simm.s32 $0x0;
	[sflag:s7] =	ssyncadd.s32 $0xFFFF9E00  }
.LBB2_2:
0xe: {  	p0 =	sne.s32 s12, $0x18600  }
.Ltmp0:
0xf: {  	_ = 	snop;
	(pc) =	sbr.rel @p0 .LBB2_2-.Ltmp0, $4  }
0x10: {  	_ = 	snop  }
0x11: {  	s13 =	sshra.s32 s12, $0x2  }
0x12: {  	s12 =	sadd.s32 $0x200, s12;
	s14 =	sadd.s32 $0x6400, s13  }
0x13: {  	[tilespmem:s14], [sflag:$0x1] =	stream.indirect.gather [hbm4b:s1+s8], $0x1, s13, s8, $0xb8;
	[tilespmem:$0xC800] =	vst v63  }
0x14: {  	_ =	swait.ge [sflag:s9], $0x80  }
0x15: {  	s12 =	simm.s32 $0xC3;
	[sflag:s9] =	ssyncset.done $0x0  }
.LBB2_4:
0x16: {  	p0 =	sne.s32 s12, $0x1;
	s12 =	sadd.s32 $0xFFFFFFFF, s12;
	[sflag:s9] =	ssyncadd.s32 $0xFFFFFF80  }
.Ltmp1:
0x17: {  	(pc) =	sbr.rel @p0 .LBB2_4-.Ltmp1, $3  }
0x18: {  	_ =	sdelay $0x1  }
0x19: {  	_ =	swait.ge [sflag:s9], $0x80  }
0x1a: {  	[sflag:s9] =	ssyncset.done $0x0  }
0x1b: {  	s11 =	sadd.s32 $0x1, s11  }
0x1c: {  	p0 =	sne.s32 s11, s6  }
.Ltmp2:
0x1d: {  	[sflag:s9] =	ssyncadd.s32 $0xFFFFFF80;
	(pc) =	sbr.rel @p0 .LBB2_1-.Ltmp2, $4  }
0x1e: {  	[hbm4b:s5+s3] =	stream.linear.scatter [tilespmem:s10], [sflag:$0x2], $0x6200, $0x38;
	[tilespmem:$0xC800] =	vst v63  }
0x1f: {  	_ =	swait.ge [sflag:s7], $0x6200  }
0x20: {  	[sflag:s7] =	ssyncset.done $0x0  }
0x21: {  	[sflag:s7] =	ssyncadd.s32 $0xFFFF9E00  }
0x22: {  	_ =	sfence.sel $0x180000  }
0x23: {  	[bflag:$0x0] =	sbarrier.arrive $0xFFFF  }
0x24: {  	p0 =	sne.s32 s0, $0x0;
	_ =	strace $0x90000047  }
0x25: {  	s0 =	sadd.s32 @!p0 $0x100000, s2;
	[bflag:$0x2] =	sbarrier.arrive $0xFFFF  }
0x26: {  	[sflag:s0] =	ssyncadd.tile.s32 @!p0 $0x1;
	_ =	shalt  }
.Lfunc_end2:
_tile_overlayer_lowered:
.L_overlay_start_2:
0x27: {  	(tag) =	ssettag $0x2  }
0x28: {  	s0 =	rddreg [dreg:$0x0];
	s2 =	stileid.u32  }
0x29: {  	s1 =	rddreg [dreg:$0x1];
	p0 =	sne.s32 s2, $0x0  }
0x2a: {  	s3 =	rddreg [dreg:$0x2];
	[bflag:$0x3] =	sbarrier.arrive $0xFFFF;
	s2 =	simm.s32 @!p0 $0x1C02  }
0x2b: {  	[timem:s3], [sflag:s2] =	dma.local @!p0 [hbm:s0], s1  }
0x2c: {  	s0 =	simm.s32 @!p0 $0x2  }
0x2d: {  	_ =	swait.ge @!p0 [sflag:s0], s1  }
0x2e: {  	s1 =	ssub.s32 @!p0 $0x0, s1;
	[sflag:s0] =	ssyncset.done @!p0 $0x0  }
0x2f: {  	[sflag:s0] =	ssyncadd.s32 @!p0 s1  }
0x30: {  	[bflag:$0x3] =	sbarrier.arrive $0xFFFF  }
0x31: {  	_ =	shalt  }

</sc_bundles>
